<compile_context>
chip_gen: v7x
topology: tpu7x:2x2x1
jax: 0.10.2.dev20260603
libtpu: 0.0.44.dev20260713+nightly
codegen_flags: <defaults>
</compile_context>

<pallas_src>
import jax
import jax.numpy as jnp
from jax.experimental import pallas as pl
from jax.experimental.pallas import tpu as pltpu

B = 4
N = 1024
C = 32
K = 8192
NC = 512
CH = 512
HIGHEST = jax.lax.Precision.HIGHEST


def _body(cpT_ref, g_ref, in_ref, st_ref, enc_ref, loss_ref, acc_ref):
    b = pl.program_id(0)
    cpT = cpT_ref[0]
    dist = g_ref[0]
    mn = jnp.min(dist, axis=1, keepdims=True)
    lane = jax.lax.broadcasted_iota(jnp.int32, (N, NC), 1)
    eidx = jnp.min(jnp.where(dist == mn, lane, NC), axis=1)
    eidxT = jnp.transpose(eidx[:, None])
    onehot = (jax.lax.broadcasted_iota(jnp.int32, (NC, N), 0)
              == eidxT).astype(jnp.float32)
    enc_ref[0] = onehot
    embqT = jax.lax.dot_general(cpT, onehot, (((1,), (0,)), ((), ())),
                                preferred_element_type=jnp.float32)
    xin = in_ref[0]
    st_ref[0] = xin + (embqT - xin)
    diff = embqT - xin
    part = jnp.sum(diff * diff)

    @pl.when(b == 0)
    def _():
        acc_ref[0, 0] = 0.0

    acc_ref[0, 0] += part

    @pl.when(b == B - 1)
    def _():
        m = acc_ref[0, 0] / jnp.float32(B * N * C)
        loss_ref[0, 0] = m + 0.25 * m


def kernel(inputs, num_colors, embedding):
    del num_colors
    flat = jnp.transpose(inputs, (0, 2, 3, 1)).reshape(B, N, C)
    d2 = (jnp.sum(flat * flat, axis=-1, keepdims=True)
          + jnp.sum(embedding * embedding, axis=-1)[None, None, :]
          - 2.0 * jnp.einsum('bnd,kd->bnk', flat, embedding))
    distances = jnp.sqrt(jnp.maximum(d2, 0.0))
    norms = jnp.linalg.norm(distances, axis=1)
    _, palette_idx = jax.lax.top_k(norms, NC)
    idx_b = jnp.broadcast_to(palette_idx[:, None, :], (B, N, NC))
    gathered = jnp.take_along_axis(distances, idx_b, axis=2)
    color_palette = embedding[palette_idx]

    cpT = jnp.transpose(color_palette, (0, 2, 1))
    in_cn = inputs.reshape(B, C, N)

    st, enc, loss = pl.pallas_call(
        _body,
        grid=(B,),
        in_specs=[
            pl.BlockSpec((1, C, NC), lambda b: (b, 0, 0)),
            pl.BlockSpec((1, N, NC), lambda b: (b, 0, 0)),
            pl.BlockSpec((1, C, N), lambda b: (b, 0, 0)),
        ],
        out_specs=[
            pl.BlockSpec((1, C, N), lambda b: (b, 0, 0)),
            pl.BlockSpec((1, NC, N), lambda b: (b, 0, 0)),
            pl.BlockSpec((1, 1), lambda b: (0, 0), memory_space=pltpu.SMEM),
        ],
        scratch_shapes=[pltpu.SMEM((1, 1), jnp.float32)],
        out_shape=[
            jax.ShapeDtypeStruct((B, C, N), jnp.float32),
            jax.ShapeDtypeStruct((B, NC, N), jnp.float32),
            jax.ShapeDtypeStruct((1, 1), jnp.float32),
        ],
    )(cpT, gathered, in_cn)

    emb_quantized_st = st.reshape(B, C, 32, 32)
    enc_out = enc.reshape(B, NC, 32, 32)
    return (emb_quantized_st, enc_out, color_palette, loss[0, 0])

# --- scband reference (transcript-rebuilt; emitter-appended) ---
"""Pipeline reference for scband-vector-quantizer-31894427140211 (READ-ONLY COPY).

The authoritative reference and input builder live on the scoring server;
editing this copy changes nothing except your own understanding.
"""

import jax, jax.numpy as jnp
import numpy as np

NUM_EMBEDDINGS = 8192
EMBEDDING_DIM = 32
COMMITMENT_COST = 0.25


def setup_inputs(seed: int = 0) -> dict:
    key = jax.random.key(seed)
    k1, k2 = jax.random.split(key)
    inputs = jax.random.normal(k1, (4, 32, 32, 32), dtype=jnp.float32)
    embedding = jax.random.normal(k2, (NUM_EMBEDDINGS, EMBEDDING_DIM), dtype=jnp.float32)
    return {"inputs": inputs, "num_colors": 512, "embedding": embedding}


def _cdist(a, b):
    # torch.cdist (p=2): a [B, N, D], b [K, D] -> [B, N, K]
    d2 = (jnp.sum(a * a, axis=-1, keepdims=True)
          + jnp.sum(b * b, axis=-1)[None, None, :]
          - 2.0 * jnp.einsum('bnd,kd->bnk', a, b))
    return jnp.sqrt(jnp.maximum(d2, 0.0))


def reference(inputs, num_colors, embedding):
    B, C, H, W = inputs.shape
    num_colors_static = 512
    flat = jnp.transpose(inputs, (0, 2, 3, 1)).reshape(B, H * W, C)
    distances = _cdist(flat, embedding)  # [B, HW, K]
    # distances.norm(dim=1) -> norm over HW axis -> [B, K]
    norms = jnp.linalg.norm(distances, axis=1)
    _, palette_idx = jax.lax.top_k(norms, num_colors_static)  # [B, num_colors]
    idx_b = jnp.broadcast_to(palette_idx[:, None, :], (B, H * W, num_colors_static))
    gathered = jnp.take_along_axis(distances, idx_b, axis=2)  # [B, HW, num_colors]
    encoding_idx = jnp.argmin(gathered, axis=2)  # [B, HW]
    encodings = jax.nn.one_hot(encoding_idx, num_colors_static, dtype=inputs.dtype)  # [B, HW, num_colors]
    color_palette = embedding[palette_idx]  # [B, num_colors, C]
    emb_quantized = jnp.einsum('bnk,bkc->bnc', encodings, color_palette)
    emb_quantized = emb_quantized.reshape(B, H, W, C).transpose(0, 3, 1, 2)
    e_latent_loss = jnp.mean((jax.lax.stop_gradient(emb_quantized) - inputs) ** 2)
    q_latent_loss = jnp.mean((emb_quantized - jax.lax.stop_gradient(inputs)) ** 2)
    loss = q_latent_loss + COMMITMENT_COST * e_latent_loss + 0.0 * num_colors
    emb_quantized_st = inputs + jax.lax.stop_gradient(emb_quantized - inputs)
    enc_out = encodings.reshape(B, H, W, num_colors_static).transpose(0, 3, 1, 2)
    return (emb_quantized_st, enc_out, color_palette, loss)

if __name__ == "__main__":
    import jax
    _d = setup_inputs()
    print(jax.jit(kernel)(*tuple(_d.values())))

</pallas_src>

<mosaic_0001>
module attributes {stable_mosaic.version = 14 : i64} {
  func.func @_body(%arg0: i32, %arg1: memref<1x32x512xf32, #tpu.memory_space<vmem>>, %arg2: memref<1x1024x512xf32, #tpu.memory_space<vmem>>, %arg3: memref<1x32x1024xf32, #tpu.memory_space<vmem>>, %arg4: memref<1x32x1024xf32, #tpu.memory_space<vmem>>, %arg5: memref<1x512x1024xf32, #tpu.memory_space<vmem>>, %arg6: memref<1x1xf32, #tpu.memory_space<smem>>, %arg7: memref<1x1xf32, #tpu.memory_space<smem>>) attributes {dimension_semantics = [#tpu.dimension_semantics<arbitrary>], iteration_bounds = array<i64: 4>, scalar_prefetch = 0 : i64, scratch_operands = 1 : i64, tpu.core_type = #tpu.core_type<tc>, window_params = [{transform_indices = @transform_0, window_bounds = array<i64: 1, 32, 512>}, {transform_indices = @transform_1, window_bounds = array<i64: 1, 1024, 512>}, {transform_indices = @transform_2, window_bounds = array<i64: 1, 32, 1024>}, {transform_indices = @transform_3, window_bounds = array<i64: 1, 32, 1024>}, {transform_indices = @transform_4, window_bounds = array<i64: 1, 512, 1024>}, {transform_indices = @transform_5, window_bounds = array<i64: 1, 1>}]} {
    %get3A = arith.constant 0 : index
    %get3A_0 = arith.constant 0 : index
    %get3A_1 = arith.constant 0 : index
    %get3A_2 = vector.load %arg1[%get3A, %get3A_0, %get3A_1] : memref<1x32x512xf32, #tpu.memory_space<vmem>>, vector<1x32x512xf32>
    %get3A_3 = vector.shape_cast %get3A_2 : vector<1x32x512xf32> to vector<32x512xf32>
    %get3A_4 = arith.constant 0 : index
    %get3A_5 = arith.constant 0 : index
    %get3A_6 = arith.constant 0 : index
    %get3A_7 = vector.load %arg2[%get3A_4, %get3A_5, %get3A_6] : memref<1x1024x512xf32, #tpu.memory_space<vmem>>, vector<1x1024x512xf32>
    %get3A_8 = vector.shape_cast %get3A_7 : vector<1x1024x512xf32> to vector<1024x512xf32>
    %reduce_min3A = arith.constant dense<0x7F800000> : vector<1024xf32>
    %reduce_min3A_9 = vector.multi_reduction <minimumf>, %get3A_8, %reduce_min3A [1] : vector<1024x512xf32> to vector<1024xf32>
    %broadcast_in_dim3A = vector.shape_cast %reduce_min3A_9 : vector<1024xf32> to vector<1024x1xf32>
    %iota3A = tpu.iota {dimensions = array<i32: 1>} : vector<1024x512xi32>
    %eq3A = vector.broadcast %broadcast_in_dim3A : vector<1024x1xf32> to vector<1024x512xf32>
    %eq3A_10 = arith.cmpf oeq, %get3A_8, %eq3A : vector<1024x512xf32>
    %jit3A = arith.constant 512 : i32
    %broadcast_in_dim3A_11 = vector.broadcast %jit3A : i32 to vector<1024x512xi32>
    %select_n3A = arith.select %eq3A_10, %iota3A, %broadcast_in_dim3A_11 : vector<1024x512xi1>, vector<1024x512xi32>
    %reduce_min3A_12 = arith.constant dense<2147483647> : vector<1024xi32>
    %reduce_min3A_13 = vector.multi_reduction <minsi>, %select_n3A, %reduce_min3A_12 [1] : vector<1024x512xi32> to vector<1024xi32>
    %broadcast_in_dim3A_14 = vector.shape_cast %reduce_min3A_13 : vector<1024xi32> to vector<1024x1xi32>
    %transpose3A = tpu.transpose %broadcast_in_dim3A_14, [1, 0] : vector<1024x1xi32> -> vector<1x1024xi32>
    %iota3A_15 = tpu.iota {dimensions = array<i32: 0>} : vector<512x1024xi32>
    %eq3A_16 = vector.broadcast %transpose3A : vector<1x1024xi32> to vector<512x1024xi32>
    %eq3A_17 = arith.cmpi eq, %iota3A_15, %eq3A_16 : vector<512x1024xi32>
    %convert_element_type3A = arith.extui %eq3A_17 : vector<512x1024xi1> to vector<512x1024xi32>
    %convert_element_type3A_18 = arith.sitofp %convert_element_type3A : vector<512x1024xi32> to vector<512x1024xf32>
    %swap3A = arith.constant 0 : index
    %swap3A_19 = arith.constant 0 : index
    %swap3A_20 = arith.constant 0 : index
    %swap3A_21 = vector.load %arg5[%swap3A, %swap3A_19, %swap3A_20] : memref<1x512x1024xf32, #tpu.memory_space<vmem>>, vector<1x512x1024xf32>
    %swap3A_22 = vector.shape_cast %swap3A_21 : vector<1x512x1024xf32> to vector<512x1024xf32>
    %swap3A_23 = vector.shape_cast %convert_element_type3A_18 : vector<512x1024xf32> to vector<1x512x1024xf32>
    tpu.vector_store %arg5[%swap3A, %swap3A_19, %swap3A_20], %swap3A_23 {strides = array<i32>} : memref<1x512x1024xf32, #tpu.memory_space<vmem>>, vector<1x512x1024xf32>,
    %dot_general3A = arith.constant dense<0.000000e+00> : vector<32x1024xf32>
    %dot_general3A_24 = tpu.matmul %get3A_3, %convert_element_type3A_18, %dot_general3A {dimension_numbers = #tpu.dot_dimension_numbers<[1], [0], [0], [1], [0, 0, 1, 1], [], []>, transpose_lhs_hint = false} : vector<32x512xf32>, vector<512x1024xf32>, vector<32x1024xf32> -> vector<32x1024xf32>
    %get3A_25 = arith.constant 0 : index
    %get3A_26 = arith.constant 0 : index
    %get3A_27 = arith.constant 0 : index
    %get3A_28 = vector.load %arg3[%get3A_25, %get3A_26, %get3A_27] : memref<1x32x1024xf32, #tpu.memory_space<vmem>>, vector<1x32x1024xf32>
    %get3A_29 = vector.shape_cast %get3A_28 : vector<1x32x1024xf32> to vector<32x1024xf32>
    %sub3A = arith.subf %dot_general3A_24, %get3A_29 : vector<32x1024xf32>
    %add3A = arith.addf %get3A_29, %sub3A : vector<32x1024xf32>
    %swap3A_30 = arith.constant 0 : index
    %swap3A_31 = arith.constant 0 : index
    %swap3A_32 = arith.constant 0 : index
    %swap3A_33 = vector.load %arg4[%swap3A_30, %swap3A_31, %swap3A_32] : memref<1x32x1024xf32, #tpu.memory_space<vmem>>, vector<1x32x1024xf32>
    %swap3A_34 = vector.shape_cast %swap3A_33 : vector<1x32x1024xf32> to vector<32x1024xf32>
    %swap3A_35 = vector.shape_cast %add3A : vector<32x1024xf32> to vector<1x32x1024xf32>
    tpu.vector_store %arg4[%swap3A_30, %swap3A_31, %swap3A_32], %swap3A_35 {strides = array<i32>} : memref<1x32x1024xf32, #tpu.memory_space<vmem>>, vector<1x32x1024xf32>,
    %sub3A_36 = arith.subf %dot_general3A_24, %get3A_29 : vector<32x1024xf32>
    %mul3A = arith.mulf %sub3A_36, %sub3A_36 : vector<32x1024xf32>
    %reduce_sum3A = vector.shape_cast %mul3A : vector<32x1024xf32> to vector<1x32x1024xf32>
    %reduce_sum3A_37 = arith.constant dense<0.000000e+00> : vector<1xf32>
    %reduce_sum3A_38 = vector.multi_reduction <add>, %reduce_sum3A, %reduce_sum3A_37 [1, 2] : vector<1x32x1024xf32> to vector<1xf32>
    %reduce_sum3A_39 = vector.shape_cast %reduce_sum3A_38 : vector<1xf32> to vector<1x1x1xf32>
    %reduce_sum3A_40 = vector.extract %reduce_sum3A_39[0, 0, 0] : f32 from vector<1x1x1xf32>
    %eq3A_41 = arith.constant 0 : i32
    %eq3A_42 = arith.cmpi eq, %arg0, %eq3A_41 : i32
    %convert_element_type3A_43 = arith.extui %eq3A_42 : i1 to i32
    %cond3A = arith.constant 0 : i32
    %cond3A_44 = arith.cmpi ne, %convert_element_type3A_43, %cond3A : i32
    scf.if %cond3A_44 {
      %swap3A_57 = arith.constant 0.000000e+00 : f32
      %swap3A_58 = arith.constant 0 : index
      %swap3A_59 = arith.constant 0 : index
      %swap3A_60 = memref.load %arg7[%swap3A_58, %swap3A_59] : memref<1x1xf32, #tpu.memory_space<smem>>
      memref.store %swap3A_57, %arg7[%swap3A_58, %swap3A_59] : memref<1x1xf32, #tpu.memory_space<smem>>
    } else {
    }
    %get3A_45 = arith.constant 0 : index
    %get3A_46 = arith.constant 0 : index
    %get3A_47 = memref.load %arg7[%get3A_45, %get3A_46] : memref<1x1xf32, #tpu.memory_space<smem>>
    %add3A_48 = arith.addf %get3A_47, %reduce_sum3A_40 : f32
    %swap3A_49 = arith.constant 0 : index
    %swap3A_50 = arith.constant 0 : index
    %swap3A_51 = memref.load %arg7[%swap3A_49, %swap3A_50] : memref<1x1xf32, #tpu.memory_space<smem>>
    memref.store %add3A_48, %arg7[%swap3A_49, %swap3A_50] : memref<1x1xf32, #tpu.memory_space<smem>>
    %eq3A_52 = arith.constant 3 : i32
    %eq3A_53 = arith.cmpi eq, %arg0, %eq3A_52 : i32
    %convert_element_type3A_54 = arith.extui %eq3A_53 : i1 to i32
    %cond3A_55 = arith.constant 0 : i32
    %cond3A_56 = arith.cmpi ne, %convert_element_type3A_54, %cond3A_55 : i32
    scf.if %cond3A_56 {
      %get3A_57 = arith.constant 0 : index
      %get3A_58 = arith.constant 0 : index
      %get3A_59 = memref.load %arg7[%get3A_57, %get3A_58] : memref<1x1xf32, #tpu.memory_space<smem>>
      %div3A = arith.constant 1.310720e+05 : f32
      %div3A_60 = arith.divf %get3A_59, %div3A : f32
      %mul3A_61 = arith.constant 2.500000e-01 : f32
      %mul3A_62 = arith.mulf %mul3A_61, %div3A_60 : f32
      %add3A_63 = arith.addf %div3A_60, %mul3A_62 : f32
      %swap3A_64 = arith.constant 0 : index
      %swap3A_65 = arith.constant 0 : index
      %swap3A_66 = memref.load %arg6[%swap3A_64, %swap3A_65] : memref<1x1xf32, #tpu.memory_space<smem>>
      memref.store %add3A_63, %arg6[%swap3A_64, %swap3A_65] : memref<1x1xf32, #tpu.memory_space<smem>>
    } else {
    }
    return
  }
  func.func @transform_0(%arg0: i32) -> (i32, i32, i32) {
    %c0_i32 = arith.constant 0 : i32
    %c0_i32_0 = arith.constant 0 : i32
    %c0_i32_1 = arith.constant 0 : i32
    return %arg0, %c0_i32, %c0_i32_0 : i32, i32, i32
  }
  func.func @transform_1(%arg0: i32) -> (i32, i32, i32) {
    %c0_i32 = arith.constant 0 : i32
    %c0_i32_0 = arith.constant 0 : i32
    %c0_i32_1 = arith.constant 0 : i32
    return %arg0, %c0_i32, %c0_i32_0 : i32, i32, i32
  }
  func.func @transform_2(%arg0: i32) -> (i32, i32, i32) {
    %c0_i32 = arith.constant 0 : i32
    %c0_i32_0 = arith.constant 0 : i32
    %c0_i32_1 = arith.constant 0 : i32
    return %arg0, %c0_i32, %c0_i32_0 : i32, i32, i32
  }
  func.func @transform_3(%arg0: i32) -> (i32, i32, i32) {
    %c0_i32 = arith.constant 0 : i32
    %c0_i32_0 = arith.constant 0 : i32
    %c0_i32_1 = arith.constant 0 : i32
    return %arg0, %c0_i32, %c0_i32_0 : i32, i32, i32
  }
  func.func @transform_4(%arg0: i32) -> (i32, i32, i32) {
    %c0_i32 = arith.constant 0 : i32
    %c0_i32_0 = arith.constant 0 : i32
    %c0_i32_1 = arith.constant 0 : i32
    return %arg0, %c0_i32, %c0_i32_0 : i32, i32, i32
  }
  func.func @transform_5(%arg0: i32) -> (i32, i32) {
    %c0_i32 = arith.constant 0 : i32
    %c0_i32_0 = arith.constant 0 : i32
    %c0_i32_1 = arith.constant 0 : i32
    return %c0_i32, %c0_i32_0 : i32, i32
  }
}

</mosaic_0001>

<sc_bundles>
// kernel: gather_offload_async_start.1
scs
__scs_entry_jumppad:
0x0: {  	(pc) =	sbr.rel $0x88, $3  }
0x1: {  	(tag) =	ssettag $0x0;
	lr =	simm.s32 $0x1  }
0x2: {  	[smem:$0x3F9F] =	sst lr;
	_ =	strace $0xD0000000  }
0x3: {  	_ = 	snop  }
0x4: {  	_ = 	snop  }
0x5: {  	_ = 	snop  }
0x6: {  	_ = 	snop  }
0x7: {  	_ = 	snop  }
__scs_overlays_trampoline_lowered:
0x8: {  	[smem:$0x3FAE] =	sst s0  }
0x9: {  	[smem:$0x3FAF] =	sst s1  }
0xa: {  	[smem:$0x3FB0] =	sst s2  }
0xb: {  	[smem:$0x3FB1] =	sst s3  }
0xc: {  	[smem:$0x3FB2] =	sst s4  }
0xd: {  	[smem:$0x3FB3] =	sst s5  }
0xe: {  	[smem:$0x3FB4] =	sst s6  }
0xf: {  	[smem:$0x3FB5] =	sst s7  }
0x10: {  	[smem:$0x3FB6] =	sst s8  }
0x11: {  	[smem:$0x3FB7] =	sst s9;
	s0 =	simm.s32 @!p0 $0x0  }
0x12: {  	s1 =	sld [smem:$0x3F9D];
	s0 =	simm.s32 @p0 $0x1  }
0x13: {  	[smem:$0x3FB8] =	sst s0;
	s0 =	simm.s32 @!p1 $0x0  }
0x14: {  	s2 =	sld [smem:$0x3F9C];
	s0 =	simm.s32 @p1 $0x1  }
0x15: {  	[smem:$0x3FB9] =	sst s0;
	s0 =	simm.s32 @!p2 $0x0  }
0x16: {  	s3 =	sld [smem:$0x3FDB];
	s0 =	simm.s32 @p2 $0x1  }
0x17: {  	s4 =	simm.s32 $0x1BF5;
	[smem:$0x3FBB] =	sst s0  }
0x18: {  	s0 =	sld [smem:$0x3F9E];
	_ =	swait.ge [sflag:s4], $0x0  }
0x19: {  	s7 =	sld [smem:$0x3F9F]  }
0x1a: {  	s8 =	sadd.s32 $0xFFFFE003, lr  }
0x1b: {  	s9 =	sadd.s32 $0xFFFFFEF7, lr;
	s5 =	simm.s32 $0xFFFFFFFF;
	p2 =	slt.u32 s8, $0xFFFFF086  }
0x1c: {  	p1 =	slt.u32 s9, $0xF7A;
	s5 =	simm.s32 @!p2 $0x0  }
0x1d: {  	s5 =	simm.s32 @p1 $0x1;
	p0 =	seq.s32 s7, s2  }
0x1e: {  	s7 =	smul.u32 @!p0 $0xF7A, s2;
	p2 =	seq.s32 @!p0 s5, $0x0  }
0x1f: {  	s9 =	smul.u32 $0xF7A, s1;
	s8 =	simm.s32 @!p0 $0x1BF5;
	p2 =	por !p2, p0  }
0x20: {  	[sflag:s8] =	ssyncset.s32 @!p0 $0xFFFFF086;
	s6 =	sadd.s32 @!p0 s3, s7;
	s7 =	simm.s32 @!p0 $0x108  }
0x21: {  	s3 =	sadd.s32 s3, s9;
	s6 =	sadd.s32 @!p0 $0x88, s6;
	s7 =	simm.s32 @p2 $0x1082  }
0x22: {  	[simem:s7], [sflag:s8] =	dma.local @!p0 [hbm:s6], $0xF7A  }
0x23: {  	s9 =	sor.u32 $0xD0000000, s2;
	s6 =	simm.s32 $0x108;
	_ =	swait.ge @!p0 [sflag:s8], $0x0  }
0x24: {  	s3 =	sadd.s32 $0x88, s3;
	s6 =	simm.s32 @!p1 $0x1082;
	[sflag:s4] =	ssyncset.s32 $0xFFFFF086  }
0x25: {  	[simem:s6], [sflag:s4] =	dma.local [hbm:s3], $0xF7A  }
0x26: {  	[smem:$0x3F9F] =	sst s1;
	(tag) =	ssettag s2;
	_ =	strace s9  }
0x27: {  	s1 =	sld [smem:$0x3FAF]  }
0x28: {  	s2 =	sld [smem:$0x3FB0]  }
0x29: {  	s4 =	sld [smem:$0x3FB2]  }
0x2a: {  	p0 =	seq.s32 s5, $0x0;
	s5 =	sld [smem:$0x3FB3]  }
0x2b: {  	s6 =	sld [smem:$0x3FB4]  }
0x2c: {  	s7 =	sld [smem:$0x3FB5]  }
0x2d: {  	s3 =	simm.s32 $0x108;
	s8 =	sld [smem:$0x3FB6]  }
0x2e: {  	s3 =	simm.s32 @!p0 $0x1082;
	s9 =	sld [smem:$0x3FB7]  }
0x2f: {  	lr =	sadd.s32 s0, s3;
	s0 =	sld [smem:$0x3FAE]  }
0x30: {  	s3 =	sld [smem:$0x3FB1]  }
0x31: {  	[smem:$0x3FBA] =	sst s10  }
0x32: {  	s10 =	sld [smem:$0x3FB8];
	_ =	sdelay $0x3  }
0x33: {  	p0 =	seq.s32 s10, $0x1;
	s10 =	sld [smem:$0x3FBA];
	_ =	sdelay $0x3  }
0x34: {  	[smem:$0x3FBA] =	sst s10  }
0x35: {  	s10 =	sld [smem:$0x3FB9];
	_ =	sdelay $0x3  }
0x36: {  	p1 =	seq.s32 s10, $0x1;
	s10 =	sld [smem:$0x3FBA];
	_ =	sdelay $0x3  }
0x37: {  	[smem:$0x3FBA] =	sst s10  }
0x38: {  	s10 =	sld [smem:$0x3FBB]  }
0x39: {  	_ = 	snop;
	(pc) =	sbr.ind lr, $3  }
0x3a: {  	_ = 	snop  }
0x3b: {  	_ = 	snop  }
0x3c: {  	p2 =	seq.s32 s10, $0x1;
	s10 =	sld [smem:$0x3FBA]  }
0x3d: {  	_ =	shalt  }
0x3e: {  	_ =	shalt  }
0x3f: {  	_ =	shalt  }
0x40: {  	_ =	shalt  }
0x41: {  	_ =	shalt  }
0x42: {  	_ =	shalt  }
0x43: {  	_ =	shalt  }
0x44: {  	_ =	shalt  }
0x45: {  	_ =	shalt  }
0x46: {  	_ =	shalt  }
0x47: {  	_ =	shalt  }
0x48: {  	_ =	shalt  }
0x49: {  	_ =	shalt  }
0x4a: {  	_ =	shalt  }
0x4b: {  	_ =	shalt  }
0x4c: {  	_ =	shalt  }
0x4d: {  	_ =	shalt  }
0x4e: {  	_ =	shalt  }
0x4f: {  	_ =	shalt  }
0x50: {  	_ =	shalt  }
0x51: {  	_ =	shalt  }
0x52: {  	_ =	shalt  }
0x53: {  	_ =	shalt  }
0x54: {  	_ =	shalt  }
0x55: {  	_ =	shalt  }
0x56: {  	_ =	shalt  }
0x57: {  	_ =	shalt  }
0x58: {  	_ =	shalt  }
0x59: {  	_ =	shalt  }
0x5a: {  	_ =	shalt  }
0x5b: {  	_ =	shalt  }
0x5c: {  	_ =	shalt  }
0x5d: {  	_ =	shalt  }
0x5e: {  	_ =	shalt  }
0x5f: {  	_ =	shalt  }
0x60: {  	_ =	shalt  }
0x61: {  	_ =	shalt  }
0x62: {  	_ =	shalt  }
0x63: {  	_ =	shalt  }
0x64: {  	_ =	shalt  }
0x65: {  	_ =	shalt  }
0x66: {  	_ =	shalt  }
0x67: {  	_ =	shalt  }
0x68: {  	_ =	shalt  }
0x69: {  	_ =	shalt  }
0x6a: {  	_ =	shalt  }
0x6b: {  	_ =	shalt  }
0x6c: {  	_ =	shalt  }
0x6d: {  	_ =	shalt  }
0x6e: {  	_ =	shalt  }
0x6f: {  	_ =	shalt  }
0x70: {  	_ =	shalt  }
0x71: {  	_ =	shalt  }
0x72: {  	_ =	shalt  }
0x73: {  	_ =	shalt  }
0x74: {  	_ =	shalt  }
0x75: {  	_ =	shalt  }
0x76: {  	_ =	shalt  }
0x77: {  	_ =	shalt  }
0x78: {  	_ =	shalt  }
0x79: {  	_ =	shalt  }
0x7a: {  	_ =	shalt  }
0x7b: {  	_ =	shalt  }
0x7c: {  	_ =	shalt  }
0x7d: {  	_ =	shalt  }
0x7e: {  	_ =	shalt  }
0x7f: {  	_ =	shalt  }
0x80: {  	_ =	shalt  }
0x81: {  	_ =	shalt  }
0x82: {  	_ =	shalt  }
0x83: {  	_ =	shalt  }
0x84: {  	_ =	shalt  }
0x85: {  	_ =	shalt  }
0x86: {  	_ =	shalt  }
0x87: {  	_ =	shalt  }
.Lfunc_end0:
.L_simem_size_0:
called_computation.1_lowered:
.L_overlay_start_0:
0x88: {  	s2 =	sld [smem:$0x3FD9]  }
0x89: {  	s3 =	sld [smem:$0x3FFE];
	_ =	sdelay $0x1  }
0x8a: {  	s1 =	srdreg.scid  }
0x8b: {  	s0 =	sand.u32 $0x1, s1  }
0x8c: {  	s14 =	sshll.u32 s0, $0xA;
	s2 =	sadd.s32 s3, s2  }
0x8d: {  	s2 =	sadd.s32 s2, s14  }
0x8e: {  	[smem:$0x3FC6] =	sst s2  }
0x8f: {  	_ = 	snop  }
0x90: {  	s2 =	sld [smem:$0x3FD0];
	_ =	sdelay $0x2  }
0x91: {  	s15 =	simm.s32 $0xA;
	s4 =	simm.s32 $0x10  }
0x92: {  	[smem:s4], [sflag:s15] =	dma.local [hbm:s2], $0x1  }
0x93: {  	_ =	swait.eq [sflag:s15], $0x1  }
0x94: {  	[sflag:s15] =	ssyncset.done $0x0  }
0x95: {  	[sflag:s15] =	ssyncadd.s32 $0xFFFFFFFF  }
0x96: {  	s16 =	sld [smem:$0x11];
	(tm) =	ssettm $0x1  }
0x97: {  	s17 =	sld [smem:$0x3FFB];
	_ =	sdelay $0x3  }
0x98: {  	_ =	strace s17  }
0x99: {  	s3 =	sld [smem:$0x3FFC];
	_ =	sdelay $0x3  }
0x9a: {  	_ =	strace s3  }
0x9b: {  	s3 =	sld [smem:$0x3FFD];
	_ =	sdelay $0x3  }
0x9c: {  	_ =	strace s3  }
0x9d: {  	_ =	strace $0x8FFFFFFF  }
0x9e: {  	s18 =	sld [smem:$0x3FDB];
	_ =	sdelay $0x1  }
0x9f: {  	s19 =	simm.s32 $_scs_section_size  }
0xa0: {  	s5 =	simm.s32 $_size__tile_overlayer_lowered;
	s6 =	simm.s32 $_tile_overlayer_lowered  }
0xa1: {  	s22 =	simm.s32 $0x1BFF;
	s21 =	sshll.u32 s6, $0x1;
	s3 =	sadd.s32 s19, s18  }
0xa2: {  	s7 =	simm.s32 $0x0;
	s20 =	sshll.u32 s5, $0x1;
	s5 =	sadd.s32 s21, s3  }
0xa3: {  	[timem:s7], [sflag:s22] =	dma.local [hbm:s5], s20  }
0xa4: {  	_ =	swait.ge [sflag:s22], s20  }
0xa5: {  	s4 =	ssub.s32 $0x0, s20;
	[sflag:s22] =	ssyncset.done $0x0  }
0xa6: {  	[sflag:s22] =	ssyncadd.s32 s4;
	_ =	sdelay $0x1  }
0xa7: {  	s23 =	simm.s32 $0x1B8B  }
0xa8: {  	_ =	swait.ge [sflag:s23], $0x1  }
0xa9: {  	[sflag:s23] =	ssyncset.done $0x0  }
0xaa: {  	s25 =	simm.s32 $0x1B8E;
	s24 =	sld [smem:$0x3FFE];
	[sflag:s23] =	ssyncadd.s32 $0xFFFFFFFF  }
0xab: {  	s26 =	simm.s32 $execute0_lowered;
	[smem:$0x3FD2] =	sst s25  }
0xac: {  	s5 =	sshll.u32 s26, $0x1;
	_ =	strace $0x80000046;
	[dreg:$0x1] =	wrdreg $0xFFFFFFFF  }
0xad: {  	s28 =	simm.s32 $_size_execute0_lowered;
	s3 =	sadd.s32 s3, s5;
	[dreg:$0x0] =	wrdreg $0x0  }
0xae: {  	s5 =	sshll.u32 s28, $0x1;
	[dreg:$0x2] =	wrdreg s3  }
0xaf: {  	[dreg:$0x3] =	wrdreg s5  }
0xb0: {  	[dreg:$0x4] =	wrdreg $0xC0  }
0xb1: {  	_ =	task [dreg:s7], $0x5FFFF  }
0xb2: {  	[dreg:$0x1] =	wrdreg $0xFFFFFFFF  }
0xb3: {  	[dreg:$0x0] =	wrdreg $0x60  }
0xb4: {  	[dreg:$0x2] =	wrdreg s24  }
0xb5: {  	[dreg:$0x3] =	wrdreg s16  }
0xb6: {  	[dreg:$0x4] =	wrdreg $0x9  }
0xb7: {  	_ =	task.clear_ibuf [dreg:s7], $0x5FFFF;
	_ =	strace $0x90000046  }
0xb8: {  	s29 =	simm.s32 $0x9;
	_ =	strace $0x80000048  }
0xb9: {  	_ =	swait.ge [sflag:s29], $0x1  }
0xba: {  	[sflag:s29] =	ssyncadd.s32 $0xFFFFFFFF  }
0xbb: {  	_ =	strace $0x90000048  }
0xbc: {  	_ =	sfence  }
0xbd: {  	s30 =	sld [smem:$0x0];
	_ =	sdelay $0x2  }
0xbe: {  	s31 =	sshll.u32 s1, $0xD;
	s1 =	sshrl.u32 s1, $0x2  }
0xbf: {  	s3 =	sand.u32 $0x4000, s31;
	s1 =	sadd.s32 s1, s30  }
0xc0: {  	s0 =	sor.u32 s3, s0;
	s1 =	sshll.u32 s1, $0x11  }
0xc1: {  	s0 =	sor.u32 s1, s0  }
0xc2: {  	s0 =	sadd.s32 $0x8F2B, s0  }
0xc3: {  	[sflag:s0] =	ssyncadd.remote.s32 $0x1  }
0xc4: {  	_ =	sfence.sel $0xFFFF  }
0xc5: {  	[dreg:$0x0] =	wrdreg $0xFFFFFFFF;
	(pc) =	sbr.abs _section_cstart, $3  }
0xc6: {  	[dreg:$0x1] =	wrdreg $0xFFFFFFFF  }
0xc7: {  	_ =	task.clear_ibuf [dreg:s7], $0x2FFFF;
	_ =	strace $0x9FFFFFFF  }
0xc8: {  	(tm) =	ssettm $0x7FFFFFFF  }
0xc9: {  	_ =	shalt  }
tec
execute0_lowered:
.L_overlay_start_1:
0x0: {  	(tag) =	ssettag $0x1  }
0x1: {  	s1 =	srdreg.scid;
	s2 =	rddreg [dreg:$0x0]  }
0x2: {  	s0 =	stileid.u32;
	s3 =	rddreg [dreg:$0x1]  }
0x3: {  	s6 =	simm.s32 $0x1;
	s9 =	simm.s32 $0x1;
	s1 =	sshll.u32 s1, $0xF  }
0x4: {  	s10 =	simm.s32 $0x3;
	s4 =	sshll.u32 s0, $0x10;
	s5 =	sand.u32 $0x8000, s1  }
0x5: {  	s13 =	simm.s32 $0x0;
	s12 =	simm.s32 $0x0;
	s4 =	sor.u32 s4, s5  }
0x6: {  	s1 =	rddreg [dreg:$0x2];
	_ =	strace $0x80000047;
	s8 =	ssub.s32 $0x200000, s4  }
.Ltmp0:
0x7: {  	s5 =	sadd.s32 $0x424600, s2;
	s7 =	sand.u32 $0xF8000, s8;
	(pc) =	sbr.rel .LBB2_1-.Ltmp0, $4  }
0x8: {  	[sflag:s6] =	ssyncpa.u1 $0x0;
	s11 =	smov.u32 s4;
	p0 =	sne.s32 s7, $0x0  }
0x9: {  	s8 =	sshrl.u32 s8, $0x14;
	s7 =	simm.s32 $0x2;
	s9 =	simm.s32 @!p0 $0x0  }
0xa: {  	[sflag:s7] =	ssyncpa.u1 $0x0;
	p0 =	por $0x0, $0x0;
	s8 =	sadd.s32 s9, s8  }
0xb: {  	vm0 =	vmmov $0xffff;
	[sflag:s10] =	ssyncpa.u1 $0x0;
	s10 =	simm.s32 $0x0;
	s9 =	sadd.s32 $0x1, s8  }
.LBB2_4:
0xc: {  	v3 =	vshrl.u32 v0, $0x2;
	v4 =	vshrl.u32 v0, $0xC;
	v1 =	vor.u32 v1, v2  }
0xd: {  	v61 =	vshll.u32 v0, $0x17;
	v59 =	vand.u32 $0x3FF, v3;
	v60 =	vand.u32 $0x1FFF, v4  }
0xe: {  	v0 =	vand.u32 $0x1800000, v61;
	v2 =	vsel vm1, $0xFFFFFFFF, v59;
	v3 =	vsel vm1, $0xFFFFFFFF, v60  }
0xf: {  	v0 =	vsel vm1, $0xFF800000, v0;
	v62 =	vand.u32 $0x7F, v3;
	v5 =	vshll.u32 v2, $0xD  }
0x10: {  	v3 =	vshll.u32 v3, $0x3;
	v5 =	vand.u32 $0xFFFF0000, v5;
	v0 =	vor.u32 v0, v62  }
0x11: {  	v2 =	vshll.u32 v2, $0x7;
	v3 =	vand.u32 $0xFFFFFC00, v3;
	v0 =	vadd.s32 v5, v0  }
0x12: {  	v2 =	vand.u32 $0x380, v2;
	v0 =	vadd.s32 v3, v0  }
0x13: {  	v0 =	vor.u32 v2, v0;
	_ =	sdelay $0x1  }
0x14: {  	(ifvalue) =	ssetifvalue $0x7FFFFFFF;
	s14 =	sadd.s32 $0x10, s14  }
0x15: {  	[tilespmem:s14], [sflag:$0x1] =	stream.indirect_vreg.gather [hbm4b:s2+s10], $0x1, v1, vm0, $0x4038;
	v63 =	vld [tilespmem:$0x0]  }
0x16: {  	(ifvalue) =	ssetifvalue $0x7FFFFFFF;
	s14 =	sadd.s32 $0x10, s14  }
0x17: {  	[tilespmem:s14], [sflag:$0x1] =	stream.indirect_vreg.gather [hbm4b:s2+s10], $0x1, v0, vm0, $0x4038;
	v63 =	vld [tilespmem:$0x0]  }
0x18: {  	_ =	swait.ge [sflag:s6], $0x8000  }
0x19: {  	s30 =	sshrl.u32 s13, $0x3;
	[sflag:s6] =	ssyncset.done $0x0  }
0x1a: {  	s31 =	sand.u32 $0x7, s13;
	s14 =	sadd.s32 s5, s30;
	[sflag:s6] =	ssyncadd.s32 $0xFFFF8000  }
0x1b: {  	[hbm4b:s14+s31] =	stream.linear.scatter [tilespmem:s15], [sflag:$0x3], $0x8000, $0x38;
	v63 =	vld [tilespmem:$0x0]  }
.LBB2_5:
0x1c: {  	s15 =	sadd.s32 $0x100000, s11  }
0x1d: {  	p2 =	sgt.s32 s15, $0x1FFFFF  }
0x1e: {  	s15 =	smov.u32 @p2 s4;
	p2 =	sne.s32 s12, s9  }
.Ltmp1:
0x1f: {  	p1 =	slt.u32 s12, $0x2;
	(pc) =	sbr.rel @!p2 .LBB2_6-.Ltmp1, $4  }
0x20: {  	s14 =	simm.s32 @!p1 $0x3  }
0x21: {  	s16 =	sadd.s32 $0x1, s12;
	_ =	swait.ge @!p1 [sflag:s14], $0x8000  }
0x22: {  	s13 =	smov.u32 s11;
	p0 =	por !p0, !p0;
	[sflag:s14] =	ssyncset.done @!p1 $0x0  }
0x23: {  	s12 =	smov.u32 s16;
	s11 =	smov.u32 s15;
	[sflag:s14] =	ssyncadd.s32 @!p1 $0xFFFF8000  }
.LBB2_1:
0x24: {  	p1 =	sge.u32 s12, s8  }
0x25: {  	s14 =	sxor.u32 @!p1 $0xFFFFFFFF, s12  }
0x26: {  	s31 =	sadd.s32 $0xFFFFFFFF, s12;
	s15 =	sshrl.u32 @!p1 s11, $0x3;
	s14 =	sshll.u32 @!p1 s14, $0xF  }
0x27: {  	s16 =	sand.u32 @!p1 $0x7, s11;
	s15 =	sadd.s32 @!p1 s3, s15;
	s14 =	sand.u32 @!p1 $0x8000, s14  }
0x28: {  	[tilespmem:s14], [sflag:$0x2] =	stream.linear.gather @!p1 [hbm4b:s15+s16], $0x8000, $0x38;
	v63 =	vld [tilespmem:$0x0]  }
0x29: {  	p1 =	sge.u32 s31, s8  }
.Ltmp2:
0x2a: {  	_ = 	snop;
	(pc) =	sbr.rel @p1 .LBB2_5-.Ltmp2, $1  }
0x2b: {  	_ =	sdelay $0x3  }
0x2c: {  	s14 =	simm.s32 $0x1  }
0x2d: {  	_ =	swait.ge [sflag:s7], $0x8000;
	s14 =	simm.s32 @!p0 $0x0  }
0x2e: {  	[sflag:s7] =	ssyncset.done $0x0;
	s14 =	sshll.u32 s14, $0xF  }
0x2f: {  	[sflag:s7] =	ssyncadd.s32 $0xFFFF8000;
	(ifvalue) =	ssetifvalue $0x7FFFFFFF;
	v0 =	vld.msk [tilespmem:s14+$0x0 ss:$0x1], $0xffff;
	_ =	sdelay $0x4  }
0x30: {  	s15 =	sadd.s32 $0x10, s14;
	vm1 =	veq.s32 v0, $0x80000000;
	v1 =	vshrl.u32 v0, $0x2;
	v2 =	vshrl.u32 v0, $0xC  }
0x31: {  	v3 =	vld.msk [tilespmem:s15+$0x0 ss:$0x1], $0xffff;
	v0 =	vshll.u32 v0, $0x17;
	v1 =	vand.u32 $0x3FF, v1;
	v2 =	vand.u32 $0x1FFF, v2  }
0x32: {  	v0 =	vand.u32 $0x1800000, v0;
	v1 =	vsel vm1, $0xFFFFFFFF, v1;
	v2 =	vsel vm1, $0xFFFFFFFF, v2  }
0x33: {  	v0 =	vsel vm1, $0xFF800000, v0;
	v4 =	vand.u32 $0x7F, v2;
	v5 =	vshll.u32 v1, $0xD  }
0x34: {  	v2 =	vshll.u32 v2, $0x3;
	v5 =	vand.u32 $0xFFFF0000, v5;
	v0 =	vor.u32 v0, v4  }
0x35: {  	v1 =	vshll.u32 v1, $0x7;
	v2 =	vand.u32 $0xFFFFFC00, v2;
	v0 =	vadd.s32 v5, v0  }
0x36: {  	v61 =	vshrl.u32 v3, $0xC;
	v1 =	vand.u32 $0x380, v1;
	v0 =	vadd.s32 v2, v0  }
0x37: {  	s17 =	sadd.s32 $0x10, s15;
	vm1 =	veq.s32 v3, $0x80000000;
	v2 =	vshrl.u32 v3, $0x2;
	v1 =	vor.u32 v1, v0  }
0x38: {  	v4 =	vand.u32 $0x1FFF, v61;
	v3 =	vshll.u32 v3, $0x17;
	v0 =	vld.msk [tilespmem:s17+$0x0 ss:$0x1], $0xffff;
	v2 =	vand.u32 $0x3FF, v2  }
0x39: {  	v4 =	vsel vm1, $0xFFFFFFFF, v4;
	v3 =	vand.u32 $0x1800000, v3;
	v2 =	vsel vm1, $0xFFFFFFFF, v2  }
0x3a: {  	s31 =	sshll.u32 s12, $0xF;
	v62 =	vand.u32 $0x7F, v4;
	v3 =	vsel vm1, $0xFF800000, v3;
	v6 =	vshll.u32 v2, $0xD  }
0x3b: {  	s14 =	sor.u32 $0x10000, s14;
	s15 =	sand.u32 $0x8000, s31;
	v4 =	vshll.u32 v4, $0x3;
	(ifvalue) =	ssetifvalue $0x7FFFFFFF;
	v3 =	vor.u32 v3, v62;
	v6 =	vand.u32 $0xFFFF0000, v6  }
0x3c: {  	v4 =	vand.u32 $0xFFFFFC00, v4;
	[tilespmem:s14], [sflag:$0x1] =	stream.indirect_vreg.gather [hbm4b:s2+s10], $0x1, v1, vm0, $0x4038;
	v1 =	vshll.u32 v2, $0x7;
	v2 =	vadd.s32 v6, v3;
	v63 =	vld [tilespmem:$0x0]  }
0x3d: {  	s16 =	simm.s32 $0x20;
	s15 =	sor.u32 $0x10000, s15;
	s17 =	sadd.s32 $0x10, s17;
	vm1 =	veq.s32 v0, $0x80000000;
	v1 =	vand.u32 $0x380, v1;
	v2 =	vadd.s32 v4, v2  }
.LBB2_3:
0x3e: {  	v3 =	vld.msk [tilespmem:s17+$0x0 ss:$0x1], $0xffff;
	v4 =	vshrl.u32 v0, $0x2;
	v5 =	vshrl.u32 v0, $0xC;
	v1 =	vor.u32 v1, v2;
	s16 =	sadd.s32 $0x10, s16  }
0x3f: {  	v0 =	vshll.u32 v0, $0x17;
	v2 =	vand.u32 $0x3FF, v4;
	v4 =	vand.u32 $0x1FFF, v5;
	p1 =	slt.u32 s16, $0x7FF0  }
.Ltmp3:
0x40: {  	v0 =	vand.u32 $0x1800000, v0;
	v2 =	vsel vm1, $0xFFFFFFFF, v2;
	v4 =	vsel vm1, $0xFFFFFFFF, v4;
	(pc) =	sbr.rel @p1 .LBB2_3-.Ltmp3, $4  }
0x41: {  	v0 =	vsel vm1, $0xFF800000, v0;
	v5 =	vand.u32 $0x7F, v4;
	v6 =	vshll.u32 v2, $0xD  }
0x42: {  	s14 =	sadd.s32 $0x10, s14;
	v4 =	vshll.u32 v4, $0x3;
	v6 =	vand.u32 $0xFFFF0000, v6;
	v7 =	vor.u32 v0, v5;
	(ifvalue) =	ssetifvalue $0x7FFFFFFF  }
0x43: {  	v2 =	vshll.u32 v2, $0x7;
	v4 =	vand.u32 $0xFFFFFC00, v4;
	v5 =	vadd.s32 v6, v7;
	[tilespmem:s14], [sflag:$0x1] =	stream.indirect_vreg.gather [hbm4b:s2+s10], $0x1, v1, vm0, $0x4038;
	v63 =	vld [tilespmem:$0x0]  }
0x44: {  	s17 =	sadd.s32 $0x10, s17;
	vm1 =	veq.s32 v3, $0x80000000;
	v1 =	vand.u32 $0x380, v2;
	v0 =	vmovc v3;
	v2 =	vadd.s32 v4, v5  }
.Ltmp4:
0x45: {  	_ = 	snop;
	(pc) =	sbr.rel .LBB2_4-.Ltmp4, $1  }
0x46: {  	_ =	sdelay $0x3  }
.LBB2_6:
0x47: {  	_ =	sfence.sel $0x180000  }
0x48: {  	s2 =	simm.s32 $0x2;
	[bflag:$0x0] =	sbarrier.arrive $0xFFFF  }
0x49: {  	s30 =	simm.s32 $0x3;
	[sflag:s2] =	ssyncpa.u1 $0x1  }
0x4a: {  	s31 =	simm.s32 $0x1;
	[sflag:s30] =	ssyncpa.u1 $0x1  }
0x4b: {  	[sflag:s31] =	ssyncpa.u1 $0x1  }
0x4c: {  	p0 =	sne.s32 s0, $0x0;
	_ =	strace $0x90000047  }
0x4d: {  	s0 =	sadd.s32 @!p0 $0x100000, s1;
	[bflag:$0x2] =	sbarrier.arrive $0xFFFF  }
0x4e: {  	[sflag:s0] =	ssyncadd.tile.s32 @!p0 $0x1;
	_ =	shalt  }
.Lfunc_end2:
_tile_overlayer_lowered:
.L_overlay_start_2:
0x4f: {  	(tag) =	ssettag $0x2  }
0x50: {  	s0 =	rddreg [dreg:$0x0];
	s2 =	stileid.u32  }
0x51: {  	s1 =	rddreg [dreg:$0x1];
	p0 =	sne.s32 s2, $0x0  }
0x52: {  	s3 =	rddreg [dreg:$0x2];
	[bflag:$0x3] =	sbarrier.arrive $0xFFFF;
	s2 =	simm.s32 @!p0 $0x1C01  }
0x53: {  	[timem:s3], [sflag:s2] =	dma.local @!p0 [hbm:s0], s1  }
0x54: {  	s0 =	simm.s32 @!p0 $0x1  }
0x55: {  	_ =	swait.ge @!p0 [sflag:s0], s1  }
0x56: {  	s1 =	ssub.s32 @!p0 $0x0, s1;
	[sflag:s0] =	ssyncset.done @!p0 $0x0  }
0x57: {  	[sflag:s0] =	ssyncadd.s32 @!p0 s1  }
0x58: {  	[bflag:$0x3] =	sbarrier.arrive $0xFFFF  }
0x59: {  	_ =	shalt  }

// kernel: gather_offload_async_start
scs
__scs_entry_jumppad:
0x0: {  	(pc) =	sbr.rel $0x88, $3  }
0x1: {  	(tag) =	ssettag $0x0;
	lr =	simm.s32 $0x1  }
0x2: {  	[smem:$0x3F9F] =	sst lr;
	_ =	strace $0xD0000000  }
0x3: {  	_ = 	snop  }
0x4: {  	_ = 	snop  }
0x5: {  	_ = 	snop  }
0x6: {  	_ = 	snop  }
0x7: {  	_ = 	snop  }
__scs_overlays_trampoline_lowered:
0x8: {  	[smem:$0x3FAE] =	sst s0  }
0x9: {  	[smem:$0x3FAF] =	sst s1  }
0xa: {  	[smem:$0x3FB0] =	sst s2  }
0xb: {  	[smem:$0x3FB1] =	sst s3  }
0xc: {  	[smem:$0x3FB2] =	sst s4  }
0xd: {  	[smem:$0x3FB3] =	sst s5  }
0xe: {  	[smem:$0x3FB4] =	sst s6  }
0xf: {  	[smem:$0x3FB5] =	sst s7  }
0x10: {  	[smem:$0x3FB6] =	sst s8  }
0x11: {  	[smem:$0x3FB7] =	sst s9;
	s0 =	simm.s32 @!p0 $0x0  }
0x12: {  	s1 =	sld [smem:$0x3F9D];
	s0 =	simm.s32 @p0 $0x1  }
0x13: {  	[smem:$0x3FB8] =	sst s0;
	s0 =	simm.s32 @!p1 $0x0  }
0x14: {  	s2 =	sld [smem:$0x3F9C];
	s0 =	simm.s32 @p1 $0x1  }
0x15: {  	[smem:$0x3FB9] =	sst s0;
	s0 =	simm.s32 @!p2 $0x0  }
0x16: {  	s3 =	sld [smem:$0x3FDB];
	s0 =	simm.s32 @p2 $0x1  }
0x17: {  	s4 =	simm.s32 $0x1BF5;
	[smem:$0x3FBB] =	sst s0  }
0x18: {  	s0 =	sld [smem:$0x3F9E];
	_ =	swait.ge [sflag:s4], $0x0  }
0x19: {  	s7 =	sld [smem:$0x3F9F]  }
0x1a: {  	s8 =	sadd.s32 $0xFFFFE003, lr  }
0x1b: {  	s9 =	sadd.s32 $0xFFFFFEF7, lr;
	s5 =	simm.s32 $0xFFFFFFFF;
	p2 =	slt.u32 s8, $0xFFFFF086  }
0x1c: {  	p1 =	slt.u32 s9, $0xF7A;
	s5 =	simm.s32 @!p2 $0x0  }
0x1d: {  	s5 =	simm.s32 @p1 $0x1;
	p0 =	seq.s32 s7, s2  }
0x1e: {  	s7 =	smul.u32 @!p0 $0xF7A, s2;
	p2 =	seq.s32 @!p0 s5, $0x0  }
0x1f: {  	s9 =	smul.u32 $0xF7A, s1;
	s8 =	simm.s32 @!p0 $0x1BF5;
	p2 =	por !p2, p0  }
0x20: {  	[sflag:s8] =	ssyncset.s32 @!p0 $0xFFFFF086;
	s6 =	sadd.s32 @!p0 s3, s7;
	s7 =	simm.s32 @!p0 $0x108  }
0x21: {  	s3 =	sadd.s32 s3, s9;
	s6 =	sadd.s32 @!p0 $0x88, s6;
	s7 =	simm.s32 @p2 $0x1082  }
0x22: {  	[simem:s7], [sflag:s8] =	dma.local @!p0 [hbm:s6], $0xF7A  }
0x23: {  	s9 =	sor.u32 $0xD0000000, s2;
	s6 =	simm.s32 $0x108;
	_ =	swait.ge @!p0 [sflag:s8], $0x0  }
0x24: {  	s3 =	sadd.s32 $0x88, s3;
	s6 =	simm.s32 @!p1 $0x1082;
	[sflag:s4] =	ssyncset.s32 $0xFFFFF086  }
0x25: {  	[simem:s6], [sflag:s4] =	dma.local [hbm:s3], $0xF7A  }
0x26: {  	[smem:$0x3F9F] =	sst s1;
	(tag) =	ssettag s2;
	_ =	strace s9  }
0x27: {  	s1 =	sld [smem:$0x3FAF]  }
0x28: {  	s2 =	sld [smem:$0x3FB0]  }
0x29: {  	s4 =	sld [smem:$0x3FB2]  }
0x2a: {  	p0 =	seq.s32 s5, $0x0;
	s5 =	sld [smem:$0x3FB3]  }
0x2b: {  	s6 =	sld [smem:$0x3FB4]  }
0x2c: {  	s7 =	sld [smem:$0x3FB5]  }
0x2d: {  	s3 =	simm.s32 $0x108;
	s8 =	sld [smem:$0x3FB6]  }
0x2e: {  	s3 =	simm.s32 @!p0 $0x1082;
	s9 =	sld [smem:$0x3FB7]  }
0x2f: {  	lr =	sadd.s32 s0, s3;
	s0 =	sld [smem:$0x3FAE]  }
0x30: {  	s3 =	sld [smem:$0x3FB1]  }
0x31: {  	[smem:$0x3FBA] =	sst s10  }
0x32: {  	s10 =	sld [smem:$0x3FB8];
	_ =	sdelay $0x3  }
0x33: {  	p0 =	seq.s32 s10, $0x1;
	s10 =	sld [smem:$0x3FBA];
	_ =	sdelay $0x3  }
0x34: {  	[smem:$0x3FBA] =	sst s10  }
0x35: {  	s10 =	sld [smem:$0x3FB9];
	_ =	sdelay $0x3  }
0x36: {  	p1 =	seq.s32 s10, $0x1;
	s10 =	sld [smem:$0x3FBA];
	_ =	sdelay $0x3  }
0x37: {  	[smem:$0x3FBA] =	sst s10  }
0x38: {  	s10 =	sld [smem:$0x3FBB]  }
0x39: {  	_ = 	snop;
	(pc) =	sbr.ind lr, $3  }
0x3a: {  	_ = 	snop  }
0x3b: {  	_ = 	snop  }
0x3c: {  	p2 =	seq.s32 s10, $0x1;
	s10 =	sld [smem:$0x3FBA]  }
0x3d: {  	_ =	shalt  }
0x3e: {  	_ =	shalt  }
0x3f: {  	_ =	shalt  }
0x40: {  	_ =	shalt  }
0x41: {  	_ =	shalt  }
0x42: {  	_ =	shalt  }
0x43: {  	_ =	shalt  }
0x44: {  	_ =	shalt  }
0x45: {  	_ =	shalt  }
0x46: {  	_ =	shalt  }
0x47: {  	_ =	shalt  }
0x48: {  	_ =	shalt  }
0x49: {  	_ =	shalt  }
0x4a: {  	_ =	shalt  }
0x4b: {  	_ =	shalt  }
0x4c: {  	_ =	shalt  }
0x4d: {  	_ =	shalt  }
0x4e: {  	_ =	shalt  }
0x4f: {  	_ =	shalt  }
0x50: {  	_ =	shalt  }
0x51: {  	_ =	shalt  }
0x52: {  	_ =	shalt  }
0x53: {  	_ =	shalt  }
0x54: {  	_ =	shalt  }
0x55: {  	_ =	shalt  }
0x56: {  	_ =	shalt  }
0x57: {  	_ =	shalt  }
0x58: {  	_ =	shalt  }
0x59: {  	_ =	shalt  }
0x5a: {  	_ =	shalt  }
0x5b: {  	_ =	shalt  }
0x5c: {  	_ =	shalt  }
0x5d: {  	_ =	shalt  }
0x5e: {  	_ =	shalt  }
0x5f: {  	_ =	shalt  }
0x60: {  	_ =	shalt  }
0x61: {  	_ =	shalt  }
0x62: {  	_ =	shalt  }
0x63: {  	_ =	shalt  }
0x64: {  	_ =	shalt  }
0x65: {  	_ =	shalt  }
0x66: {  	_ =	shalt  }
0x67: {  	_ =	shalt  }
0x68: {  	_ =	shalt  }
0x69: {  	_ =	shalt  }
0x6a: {  	_ =	shalt  }
0x6b: {  	_ =	shalt  }
0x6c: {  	_ =	shalt  }
0x6d: {  	_ =	shalt  }
0x6e: {  	_ =	shalt  }
0x6f: {  	_ =	shalt  }
0x70: {  	_ =	shalt  }
0x71: {  	_ =	shalt  }
0x72: {  	_ =	shalt  }
0x73: {  	_ =	shalt  }
0x74: {  	_ =	shalt  }
0x75: {  	_ =	shalt  }
0x76: {  	_ =	shalt  }
0x77: {  	_ =	shalt  }
0x78: {  	_ =	shalt  }
0x79: {  	_ =	shalt  }
0x7a: {  	_ =	shalt  }
0x7b: {  	_ =	shalt  }
0x7c: {  	_ =	shalt  }
0x7d: {  	_ =	shalt  }
0x7e: {  	_ =	shalt  }
0x7f: {  	_ =	shalt  }
0x80: {  	_ =	shalt  }
0x81: {  	_ =	shalt  }
0x82: {  	_ =	shalt  }
0x83: {  	_ =	shalt  }
0x84: {  	_ =	shalt  }
0x85: {  	_ =	shalt  }
0x86: {  	_ =	shalt  }
0x87: {  	_ =	shalt  }
.Lfunc_end0:
.L_simem_size_0:
called_computation_lowered:
.L_overlay_start_0:
0x88: {  	s2 =	sld [smem:$0x3FD9]  }
0x89: {  	s3 =	sld [smem:$0x3FFE];
	_ =	sdelay $0x1  }
0x8a: {  	s1 =	srdreg.scid  }
0x8b: {  	s0 =	sand.u32 $0x1, s1  }
0x8c: {  	s14 =	sshll.u32 s0, $0xA;
	s2 =	sadd.s32 s3, s2  }
0x8d: {  	s2 =	sadd.s32 s2, s14  }
0x8e: {  	[smem:$0x3FC6] =	sst s2  }
0x8f: {  	_ = 	snop  }
0x90: {  	s2 =	sld [smem:$0x3FD0];
	_ =	sdelay $0x2  }
0x91: {  	s15 =	simm.s32 $0xA;
	s4 =	simm.s32 $0x10  }
0x92: {  	[smem:s4], [sflag:s15] =	dma.local [hbm:s2], $0x1  }
0x93: {  	_ =	swait.eq [sflag:s15], $0x1  }
0x94: {  	[sflag:s15] =	ssyncset.done $0x0  }
0x95: {  	s16 =	sld [smem:$0x10];
	[sflag:s15] =	ssyncadd.s32 $0xFFFFFFFF  }
0x96: {  	s17 =	sld [smem:$0x12];
	(tm) =	ssettm $0x1  }
0x97: {  	s18 =	sld [smem:$0x3FFB];
	_ =	sdelay $0x3  }
0x98: {  	_ =	strace s18  }
0x99: {  	s4 =	sld [smem:$0x3FFC];
	_ =	sdelay $0x3  }
0x9a: {  	_ =	strace s4  }
0x9b: {  	s4 =	sld [smem:$0x3FFD];
	_ =	sdelay $0x3  }
0x9c: {  	_ =	strace s4  }
0x9d: {  	_ =	strace $0x8FFFFFFF  }
0x9e: {  	s19 =	sld [smem:$0x3FDB];
	_ =	sdelay $0x1  }
0x9f: {  	s5 =	simm.s32 $_scs_section_size  }
0xa0: {  	s6 =	simm.s32 $_size__tile_overlayer_lowered;
	s7 =	simm.s32 $_tile_overlayer_lowered  }
0xa1: {  	s22 =	simm.s32 $0x1BFF;
	s21 =	sshll.u32 s7, $0x1;
	s4 =	sadd.s32 s5, s19  }
0xa2: {  	s8 =	simm.s32 $0x0;
	s20 =	sshll.u32 s6, $0x1;
	s6 =	sadd.s32 s21, s4  }
0xa3: {  	[timem:s8], [sflag:s22] =	dma.local [hbm:s6], s20  }
0xa4: {  	_ =	swait.ge [sflag:s22], s20  }
0xa5: {  	s5 =	ssub.s32 $0x0, s20;
	[sflag:s22] =	ssyncset.done $0x0  }
0xa6: {  	[sflag:s22] =	ssyncadd.s32 s5;
	_ =	sdelay $0x1  }
0xa7: {  	s23 =	simm.s32 $0x1B8B  }
0xa8: {  	_ =	swait.ge [sflag:s23], $0x1  }
0xa9: {  	[sflag:s23] =	ssyncset.done $0x0  }
0xaa: {  	s25 =	simm.s32 $0x1B8E;
	s24 =	sld [smem:$0x3FFE];
	[sflag:s23] =	ssyncadd.s32 $0xFFFFFFFF  }
0xab: {  	s26 =	simm.s32 $execute0_lowered;
	[smem:$0x3FD2] =	sst s25  }
0xac: {  	s6 =	sshll.u32 s26, $0x1;
	_ =	strace $0x80000049;
	[dreg:$0x1] =	wrdreg $0xFFFFFFFF  }
0xad: {  	s28 =	simm.s32 $_size_execute0_lowered;
	s4 =	sadd.s32 s4, s6;
	[dreg:$0x0] =	wrdreg $0x0  }
0xae: {  	s6 =	sshll.u32 s28, $0x1;
	[dreg:$0x2] =	wrdreg s4  }
0xaf: {  	[dreg:$0x3] =	wrdreg s6  }
0xb0: {  	[dreg:$0x4] =	wrdreg $0xC0  }
0xb1: {  	_ =	task [dreg:s8], $0x5FFFF  }
0xb2: {  	[dreg:$0x1] =	wrdreg $0xFFFFFFFF  }
0xb3: {  	[dreg:$0x0] =	wrdreg $0x60  }
0xb4: {  	[dreg:$0x2] =	wrdreg s24  }
0xb5: {  	[dreg:$0x3] =	wrdreg s17  }
0xb6: {  	[dreg:$0x4] =	wrdreg s16  }
0xb7: {  	[dreg:$0x5] =	wrdreg $0x9  }
0xb8: {  	_ =	task.clear_ibuf [dreg:s8], $0x6FFFF;
	_ =	strace $0x90000049  }
0xb9: {  	s29 =	simm.s32 $0x9;
	_ =	strace $0x8000004B  }
0xba: {  	_ =	swait.ge [sflag:s29], $0x1  }
0xbb: {  	[sflag:s29] =	ssyncadd.s32 $0xFFFFFFFF  }
0xbc: {  	_ =	strace $0x9000004B  }
0xbd: {  	_ =	sfence  }
0xbe: {  	s30 =	sld [smem:$0x0];
	_ =	sdelay $0x2  }
0xbf: {  	s31 =	sshll.u32 s1, $0xD;
	s1 =	sshrl.u32 s1, $0x2  }
0xc0: {  	s3 =	sand.u32 $0x4000, s31;
	s1 =	sadd.s32 s1, s30  }
0xc1: {  	s0 =	sor.u32 s3, s0;
	s1 =	sshll.u32 s1, $0x11  }
0xc2: {  	s0 =	sor.u32 s1, s0  }
0xc3: {  	s0 =	sadd.s32 $0x8F2B, s0  }
0xc4: {  	[sflag:s0] =	ssyncadd.remote.s32 $0x1  }
0xc5: {  	_ =	sfence.sel $0xFFFF  }
0xc6: {  	[dreg:$0x0] =	wrdreg $0xFFFFFFFF;
	(pc) =	sbr.abs _section_cstart, $3  }
0xc7: {  	[dreg:$0x1] =	wrdreg $0xFFFFFFFF  }
0xc8: {  	_ =	task.clear_ibuf [dreg:s8], $0x2FFFF;
	_ =	strace $0x9FFFFFFF  }
0xc9: {  	(tm) =	ssettm $0x7FFFFFFF  }
tec
execute0_lowered:
.L_overlay_start_1:
0x0: {  	(tag) =	ssettag $0x1  }
0x1: {  	s7 =	rddreg [dreg:$0x0]  }
0x2: {  	s2 =	rddreg [dreg:$0x1]  }
0x3: {  	s3 =	rddreg [dreg:$0x2]  }
0x4: {  	s0 =	rddreg [dreg:$0x3];
	s1 =	srdreg.scid;
	_ =	strace $0x8000004A  }
0x5: {  	s4 =	simm.s32 $0x1;
	s9 =	simm.s32 $0x3;
	s5 =	sshll.u32 s1, $0x4  }
.Ltmp0:
0x6: {  	s1 =	stileid.u32;
	s5 =	sand.u32 $0x10, s5;
	(pc) =	sbr.rel .LBB2_1-.Ltmp0, $4  }
0x7: {  	s12 =	simm.s32 $0x0;
	s10 =	simm.s32 $0x0;
	s6 =	sor.u32 s1, s5  }
0x8: {  	[sflag:s4] =	ssyncpa.u1 $0x0;
	s5 =	simm.s32 $0x2;
	s6 =	sshll.u32 s6, $0x6  }
0x9: {  	s7 =	sadd.s32 $0x400600, s7;
	[sflag:s5] =	ssyncpa.u1 $0x0;
	s8 =	sadd.s32 $0x40, s6  }
0xa: {  	vm0 =	vmmov $0xff;
	vm1 =	vcmask $0x3F20;
	[sflag:s9] =	ssyncpa.u1 $0x0;
	s9 =	simm.s32 $0x40;
	s11 =	smov.u32 s6  }
.LBB2_9:
0xb: {  	p0 =	seq.s32 s10, $0x2  }
.Ltmp1:
0xc: {  	_ = 	snop;
	(pc) =	sbr.rel @p0 .LBB2_11-.Ltmp1, $1  }
0xd: {  	_ =	sdelay $0x3  }
.LBB2_10:
0xe: {  	s12 =	sadd.s32 $0x40, s11  }
0xf: {  	s13 =	smov.u32 s6;
	p0 =	slt.s32 s12, s8  }
0x10: {  	s13 =	smov.u32 @p0 s12  }
0x11: {  	s10 =	sadd.s32 $0x1, s10;
	s12 =	smov.u32 s11;
	s11 =	smov.u32 s13  }
.LBB2_1:
0x12: {  	p0 =	sne.s32 s10, $0x0  }
.Ltmp2:
0x13: {  	_ = 	snop;
	(pc) =	sbr.rel @!p0 .LBB2_2-.Ltmp2, $1  }
0x14: {  	_ =	sdelay $0x3  }
0x15: {  	s13 =	sand.u32 $0x1, s10  }
0x16: {  	p0 =	seq.s32 s13, $0x0  }
.Ltmp3:
0x17: {  	_ = 	snop;
	(pc) =	sbr.rel @p0 .LBB2_9-.Ltmp3, $1  }
0x18: {  	_ =	sdelay $0x3  }
0x19: {  	_ =	swait.ge [sflag:s5], $0x40  }
0x1a: {  	[sflag:s5] =	ssyncset.done $0x0  }
0x1b: {  	s13 =	simm.s32 $0x0;
	[sflag:s5] =	ssyncadd.s32 $0xFFFFFFC0  }
0x1c: {  	v0 =	vld.msk [tilespmem:s13+$0x40 ss:$0x1], $0xffff;
	_ =	sdelay $0x4  }
0x1d: {  	vm2 =	vgt.s32 v0, $0x0  }
0x1e: {  	v0 =	vnsel vm2, $0x0, v0  }
0x1f: {  	v0 =	vmin.u32 v0, $0x1FFF  }
0x20: {  	v0 =	vshll.u32 v0, $0x4;
	_ =	sdelay $0x3  }
0x21: {  	s13 =	simm.s32 $0x2080  }
0x22: {  	[tilespmem:s13], [sflag:$0x1] =	stream.indirect_vreg.gather [hbm:s7], $0x80, v0, vm0, $0x38;
	[tilespmem:$0x4080] =	vst v63  }
0x23: {  	s14 =	simm.s32 $0x2480;
	s31 =	simm.s32 $0x10  }
0x24: {  	[tilespmem:s14], [sflag:$0x1] =	stream.indirect_vreg.gather [hbm:s7], $0x80, v0, vm1, $0x38;
	[tilespmem:$0x4080] =	vst v63  }
0x25: {  	s14 =	simm.s32 $0x80;
	v0 =	vld.msk [tilespmem:s31+$0x40 ss:$0x1], $0xffff  }
.LBB2_5:
0x26: {  	p0 =	sne.s32 s14, $0xC0;
	_ =	sdelay $0x4  }
0x27: {  	vm2 =	vgt.s32 v0, $0x0  }
0x28: {  	v0 =	vnsel vm2, $0x0, v0  }
0x29: {  	v0 =	vmin.u32 v0, $0x1FFF  }
0x2a: {  	v0 =	vshll.u32 v0, $0x4;
	_ =	sdelay $0x3  }
.Ltmp4:
0x2b: {  	s13 =	sadd.s32 $0x800, s13;
	(pc) =	sbr.rel @p0 .LBB2_5-.Ltmp4, $4  }
0x2c: {  	[tilespmem:s13], [sflag:$0x1] =	stream.indirect_vreg.gather [hbm:s7], $0x80, v0, vm0, $0x38;
	[tilespmem:$0x4080] =	vst v63  }
0x2d: {  	s15 =	sshra.s32 s14, $0x2;
	s16 =	sadd.s32 $0x400, s13  }
0x2e: {  	[tilespmem:s16], [sflag:$0x1] =	stream.indirect_vreg.gather [hbm:s7], $0x80, v0, vm1, $0x38;
	[tilespmem:$0x4080] =	vst v63  }
0x2f: {  	s14 =	sadd.s32 $0x40, s14;
	v0 =	vld.msk [tilespmem:s15+$0x40 ss:$0x1], $0xffff  }
0x30: {  	_ =	sdelay $0x3  }
0x31: {  	vm2 =	vgt.s32 v0, $0x0  }
0x32: {  	v0 =	vnsel vm2, $0x0, v0  }
0x33: {  	v0 =	vmin.u32 v0, $0x1FFF  }
0x34: {  	v0 =	vshll.u32 v0, $0x4;
	_ =	sdelay $0x3  }
0x35: {  	s13 =	sadd.s32 $0x800, s13  }
0x36: {  	[tilespmem:s13], [sflag:$0x1] =	stream.indirect_vreg.gather [hbm:s7], $0x80, v0, vm0, $0x38;
	[tilespmem:$0x4080] =	vst v63  }
0x37: {  	s13 =	sadd.s32 $0x400, s13  }
0x38: {  	[tilespmem:s13], [sflag:$0x1] =	stream.indirect_vreg.gather [hbm:s7], $0x80, v0, vm1, $0x38;
	[tilespmem:$0x4080] =	vst v63  }
0x39: {  	s12 =	sshll.u32 s12, $0x4;
	s14 =	simm.s32 $0x80;
	_ =	swait.ge [sflag:s4], $0x2000  }
0x3a: {  	s15 =	simm.s32 $0x2480;
	s12 =	sadd.s32 s12, s3;
	[sflag:s4] =	ssyncset.done $0x0  }
0x3b: {  	s16 =	sadd.s32 $0x0, s12;
	s13 =	simm.s32 $0x2080;
	[sflag:s4] =	ssyncadd.s32 $0xFFFFE000  }
.LBB2_7:
0x3c: {  	[hbm:s16] =	stream.linear.scatter [tilespmem:s13], [sflag:$0x3], $0x400, $0x38;
	[tilespmem:$0x4080] =	vst v63  }
0x3d: {  	s16 =	smov.u32 s14;
	s13 =	smov.u32 s15;
	p0 =	sne.s32 s14, $0x380  }
.Ltmp5:
0x3e: {  	s14 =	sadd.s32 $0x80, s14;
	(pc) =	sbr.rel @p0 .LBB2_7-.Ltmp5, $2  }
0x3f: {  	_ =	sdelay $0x2  }
0x40: {  	s15 =	sadd.s32 $0x400, s15;
	s16 =	sadd.s32 s16, s12  }
.Ltmp6:
0x41: {  	(pc) =	sbr.rel .LBB2_9-.Ltmp6, $2  }
0x42: {  	_ =	sdelay $0x2  }
0x43: {  	[hbm:s16] =	stream.linear.scatter [tilespmem:s13], [sflag:$0x3], $0x400, $0x38;
	[tilespmem:$0x4080] =	vst v63  }
.LBB2_2:
.Ltmp7:
0x44: {  	(pc) =	sbr.rel .LBB2_10-.Ltmp7, $4  }
0x45: {  	_ = 	snop  }
0x46: {  	s12 =	sshrl.u32 s11, $0x3  }
0x47: {  	s13 =	sand.u32 $0x7, s11;
	s12 =	sadd.s32 s2, s12  }
0x48: {  	[tilespmem:s9], [sflag:$0x2] =	stream.linear.gather [hbm4b:s12+s13], $0x40, $0x38;
	[tilespmem:$0x4080] =	vst v63  }
.LBB2_11:
0x49: {  	s2 =	simm.s32 $0x3  }
0x4a: {  	_ =	swait.ge [sflag:s2], $0x2000  }
0x4b: {  	[sflag:s2] =	ssyncset.done $0x0  }
0x4c: {  	[sflag:s2] =	ssyncadd.s32 $0xFFFFE000  }
0x4d: {  	_ =	sfence.sel $0x180000  }
0x4e: {  	s3 =	simm.s32 $0x2;
	[bflag:$0x0] =	sbarrier.arrive $0xFFFF  }
0x4f: {  	[sflag:s3] =	ssyncpa.u1 $0x1  }
0x50: {  	s31 =	simm.s32 $0x1;
	[sflag:s2] =	ssyncpa.u1 $0x1  }
0x51: {  	[sflag:s31] =	ssyncpa.u1 $0x1  }
0x52: {  	p0 =	sne.s32 s1, $0x0;
	_ =	strace $0x9000004A  }
0x53: {  	s0 =	sadd.s32 @!p0 $0x100000, s0;
	[bflag:$0x2] =	sbarrier.arrive $0xFFFF  }
0x54: {  	[sflag:s0] =	ssyncadd.tile.s32 @!p0 $0x1;
	_ =	shalt  }
.Lfunc_end2:
_tile_overlayer_lowered:
.L_overlay_start_2:
0x55: {  	(tag) =	ssettag $0x2  }
0x56: {  	s0 =	rddreg [dreg:$0x0];
	s2 =	stileid.u32  }
0x57: {  	s1 =	rddreg [dreg:$0x1];
	p0 =	sne.s32 s2, $0x0  }
0x58: {  	s3 =	rddreg [dreg:$0x2];
	[bflag:$0x3] =	sbarrier.arrive $0xFFFF;
	s2 =	simm.s32 @!p0 $0x1C01  }
0x59: {  	[timem:s3], [sflag:s2] =	dma.local @!p0 [hbm:s0], s1  }
0x5a: {  	s0 =	simm.s32 @!p0 $0x1  }
0x5b: {  	_ =	swait.ge @!p0 [sflag:s0], s1  }
0x5c: {  	s1 =	ssub.s32 @!p0 $0x0, s1;
	[sflag:s0] =	ssyncset.done @!p0 $0x0  }
0x5d: {  	[sflag:s0] =	ssyncadd.s32 @!p0 s1  }
0x5e: {  	[bflag:$0x3] =	sbarrier.arrive $0xFFFF  }
0x5f: {  	_ =	shalt  }

</sc_bundles>
